<compile_context>
chip_gen: v7x
topology: tpu7x:2x2x1
jax: 0.10.2.dev20260603
libtpu: 0.0.44.dev20260713+nightly
codegen_flags: <defaults>
</compile_context>

<pallas_src>
import functools

import jax
import jax.numpy as jnp
from jax import lax
from jax.experimental import pallas as pl
from jax.experimental.pallas import tpu as pltpu
from jax.experimental.pallas import tpu_sc as plsc

_NCHUNKS = 8


def kernel(words, w_table, w_bias):
    B = words.shape[0]
    V, D = w_table.shape
    info = plsc.get_sparse_core_info()
    NC, NS = info.num_cores, info.num_subcores
    NW = NC * NS
    b_per_w = B // NW
    chunk = b_per_w // _NCHUNKS
    mesh = plsc.VectorSubcoreMesh(core_axis_name="c", subcore_axis_name="s")

    @functools.partial(
        pl.kernel,
        mesh=mesh,
        out_type=(
            jax.ShapeDtypeStruct((B, D), jnp.float32),
            jax.ShapeDtypeStruct((B,), jnp.float32),
        ),
        scratch_types=(
            [
                pltpu.VMEM((b_per_w,), jnp.int32),
                pltpu.VMEM((b_per_w,), jnp.float32),
            ]
            + [pltpu.VMEM((chunk, D), jnp.float32) for _ in range(_NCHUNKS)]
            + [pltpu.SemaphoreType.DMA for _ in range(_NCHUNKS)]
            + [pltpu.SemaphoreType.DMA, pltpu.SemaphoreType.DMA]
        ),
    )
    def glove_gather(words_hbm, table_hbm, bias_hbm, emb_hbm, bout_hbm,
                     idx_v, bias_v, *bufs_and_sems):
        bufs = bufs_and_sems[:_NCHUNKS]
        gsems = bufs_and_sems[_NCHUNKS:2 * _NCHUNKS]
        sem_out, sem_bias = bufs_and_sems[2 * _NCHUNKS:]
        wid = lax.axis_index("s") * NC + lax.axis_index("c")
        base = wid * b_per_w

        pltpu.sync_copy(words_hbm.at[pl.ds(base, b_per_w)], idx_v)
        c_bias = pltpu.async_copy(bias_hbm.at[idx_v], bias_v, sem_bias)
        gathers = [
            pltpu.async_copy(
                table_hbm.at[idx_v.at[pl.ds(c * chunk, chunk)]],
                bufs[c], gsems[c])
            for c in range(_NCHUNKS)
        ]
        outs = []
        for c in range(_NCHUNKS):
            gathers[c].wait()
            outs.append(pltpu.async_copy(
                bufs[c], emb_hbm.at[pl.ds(base + c * chunk, chunk)], sem_out))
        c_bias.wait()
        outs.append(pltpu.async_copy(
            bias_v, bout_hbm.at[pl.ds(base, b_per_w)], sem_bias))
        for o in outs:
            o.wait()

    emb, bias = glove_gather(words, w_table, w_bias.reshape(V))
    return emb, bias.reshape(B, 1)

# --- scband reference (transcript-rebuilt; emitter-appended) ---
"""Pipeline reference for scband-glove-model-52295521796157 (READ-ONLY COPY).

The authoritative reference and input builder live on the scoring server;
editing this copy changes nothing except your own understanding.
"""

import jax, jax.numpy as jnp
import numpy as np

VOCAB = 1000000
DIM = 128
B = 16384

def setup_inputs(seed: int = 0) -> dict:
    key = jax.random.key(seed)
    k1, k2, k3 = jax.random.split(key, 3)
    words = jax.random.randint(k1, (B,), 0, VOCAB, dtype=jnp.int64 if jax.config.jax_enable_x64 else jnp.int32)
    w_table = (jax.random.normal(k2, (VOCAB, DIM), dtype=jnp.float32) * 0.02)
    w_bias = (jax.random.normal(k3, (VOCAB, 1), dtype=jnp.float32) * 0.02)
    return {"words": words, "w_table": w_table, "w_bias": w_bias}

def reference(words, w_table, w_bias):
    # GloveModel.forward_w: embedding lookup of word vectors and per-word biases
    w_embeds = jnp.take(w_table, words, axis=0)
    w_biases = jnp.take(w_bias, words, axis=0)
    return (w_embeds, w_biases)

if __name__ == "__main__":
    import jax
    _d = setup_inputs()
    print(jax.jit(kernel)(*tuple(_d.values())))

</pallas_src>

<mosaic_0001>
#map = affine_map<(d0, d1) -> (0)>
#map1 = affine_map<(d0, d1) -> (0, 0)>
module attributes {stable_mosaic.version = 14 : i64} {
  func.func @glove_gather(%arg0: i32, %arg1: i32, %arg2: memref<16384xi32, #tpu.memory_space<hbm>>, %arg3: memref<1000000x128xf32, #tpu.memory_space<hbm>>, %arg4: memref<1000000xf32, #tpu.memory_space<hbm>>, %arg5: memref<16384x128xf32, #tpu.memory_space<hbm>>, %arg6: memref<16384xf32, #tpu.memory_space<hbm>>, %arg7: memref<512xi32, #tpu.memory_space<vmem>>, %arg8: memref<512xf32, #tpu.memory_space<vmem>>, %arg9: memref<64x128xf32, #tpu.memory_space<vmem>>, %arg10: memref<64x128xf32, #tpu.memory_space<vmem>>, %arg11: memref<64x128xf32, #tpu.memory_space<vmem>>, %arg12: memref<64x128xf32, #tpu.memory_space<vmem>>, %arg13: memref<64x128xf32, #tpu.memory_space<vmem>>, %arg14: memref<64x128xf32, #tpu.memory_space<vmem>>, %arg15: memref<64x128xf32, #tpu.memory_space<vmem>>, %arg16: memref<64x128xf32, #tpu.memory_space<vmem>>, %arg17: memref<!tpu.dma_semaphore, #tpu.memory_space<semaphore_mem>>, %arg18: memref<!tpu.dma_semaphore, #tpu.memory_space<semaphore_mem>>, %arg19: memref<!tpu.dma_semaphore, #tpu.memory_space<semaphore_mem>>, %arg20: memref<!tpu.dma_semaphore, #tpu.memory_space<semaphore_mem>>, %arg21: memref<!tpu.dma_semaphore, #tpu.memory_space<semaphore_mem>>, %arg22: memref<!tpu.dma_semaphore, #tpu.memory_space<semaphore_mem>>, %arg23: memref<!tpu.dma_semaphore, #tpu.memory_space<semaphore_mem>>, %arg24: memref<!tpu.dma_semaphore, #tpu.memory_space<semaphore_mem>>, %arg25: memref<!tpu.dma_semaphore, #tpu.memory_space<semaphore_mem>>, %arg26: memref<!tpu.dma_semaphore, #tpu.memory_space<semaphore_mem>>) attributes {dimension_semantics = [#tpu.dimension_semantics<core_parallel>, #tpu.dimension_semantics<subcore_parallel>], iteration_bounds = array<i64: 2, 16>, scalar_prefetch = 0 : i64, scratch_operands = 20 : i64, tpu.core_type = #tpu.core_type<sc_vector_subcore>, window_params = [{transform_indices = #map}, {transform_indices = #map1}, {transform_indices = #map}, {transform_indices = #map1}, {transform_indices = #map}]} {
    %mul3A = arith.constant 2 : i32
    %mul3A_0 = arith.muli %arg1, %mul3A : i32
    %add3A = arith.addi %mul3A_0, %arg0 : i32
    %mul3A_1 = arith.constant 512 : i32
    %mul3A_2 = arith.muli %add3A, %mul3A_1 : i32
    "tpu.region"() ({
      %run_scoped3A = tpu.sem_alloc : memref<!tpu.dma_semaphore, #tpu.memory_space<semaphore_mem>>
      %dma_start3A_169 = tpu.memref_slice %arg2[%mul3A_2] : memref<16384xi32, #tpu.memory_space<hbm>> -> memref<512xi32, #tpu.memory_space<hbm>>
      %dma_start3A_170 = tpu.memref_slice %arg2[%mul3A_2] : memref<16384xi32, #tpu.memory_space<hbm>> -> memref<512xi32, #tpu.memory_space<hbm>>
      tpu.enqueue_dma source(%dma_start3A_170 : memref<512xi32, #tpu.memory_space<hbm>>) target(%arg7 : memref<512xi32, #tpu.memory_space<vmem>>) target_semaphore(%run_scoped3A : memref<!tpu.dma_semaphore, #tpu.memory_space<semaphore_mem>>)
      %dma_wait3A_171 = tpu.memref_slice %arg2[%mul3A_2] : memref<16384xi32, #tpu.memory_space<hbm>> -> memref<512xi32, #tpu.memory_space<hbm>>
      %dma_wait3A_172 = tpu.memref_slice %arg2[%mul3A_2] : memref<16384xi32, #tpu.memory_space<hbm>> -> memref<512xi32, #tpu.memory_space<hbm>>
      tpu.wait_dma2 semaphore(%run_scoped3A : memref<!tpu.dma_semaphore, #tpu.memory_space<semaphore_mem>>) src(%dma_wait3A_172 : memref<512xi32, #tpu.memory_space<hbm>>) dst(%arg7 : memref<512xi32, #tpu.memory_space<vmem>>)
      tpu.yield
    }) : () -> ()
    %dma_start3A = arith.constant 0 : i32
    %dma_start3A_3 = tpu.memref_slice %arg4[%dma_start3A] : memref<1000000xf32, #tpu.memory_space<hbm>> -> memref<1000000xf32, #tpu.memory_space<hbm>>
    tpu.enqueue_indirect_dma source(%dma_start3A_3 : memref<1000000xf32, #tpu.memory_space<hbm>>) target(%arg8 : memref<512xf32, #tpu.memory_space<vmem>>) offsets(%arg7 : memref<512xi32, #tpu.memory_space<vmem>>) semaphore(%arg26 : memref<!tpu.dma_semaphore, #tpu.memory_space<semaphore_mem>>)
    %dma_start3A_4 = arith.constant 0 : i32
    %dma_start3A_5 = tpu.memref_slice %arg7[%dma_start3A_4] : memref<512xi32, #tpu.memory_space<vmem>> -> memref<64xi32, #tpu.memory_space<vmem>>
    %dma_start3A_6 = arith.constant 0 : i32
    %dma_start3A_7 = arith.constant 0 : i32
    %dma_start3A_8 = tpu.memref_slice %arg3[%dma_start3A_6, %dma_start3A_7] : memref<1000000x128xf32, #tpu.memory_space<hbm>> -> memref<1000000x128xf32, #tpu.memory_space<hbm>>
    tpu.enqueue_indirect_dma source(%dma_start3A_8 : memref<1000000x128xf32, #tpu.memory_space<hbm>>) target(%arg9 : memref<64x128xf32, #tpu.memory_space<vmem>>) offsets(%dma_start3A_5 : memref<64xi32, #tpu.memory_space<vmem>>) semaphore(%arg17 : memref<!tpu.dma_semaphore, #tpu.memory_space<semaphore_mem>>)
    %dma_start3A_9 = arith.constant 64 : i32
    %dma_start3A_10 = tpu.memref_slice %arg7[%dma_start3A_9] : memref<512xi32, #tpu.memory_space<vmem>> -> memref<64xi32, #tpu.memory_space<vmem>>
    %dma_start3A_11 = arith.constant 0 : i32
    %dma_start3A_12 = arith.constant 0 : i32
    %dma_start3A_13 = tpu.memref_slice %arg3[%dma_start3A_11, %dma_start3A_12] : memref<1000000x128xf32, #tpu.memory_space<hbm>> -> memref<1000000x128xf32, #tpu.memory_space<hbm>>
    tpu.enqueue_indirect_dma source(%dma_start3A_13 : memref<1000000x128xf32, #tpu.memory_space<hbm>>) target(%arg10 : memref<64x128xf32, #tpu.memory_space<vmem>>) offsets(%dma_start3A_10 : memref<64xi32, #tpu.memory_space<vmem>>) semaphore(%arg18 : memref<!tpu.dma_semaphore, #tpu.memory_space<semaphore_mem>>)
    %dma_start3A_14 = arith.constant 128 : i32
    %dma_start3A_15 = tpu.memref_slice %arg7[%dma_start3A_14] : memref<512xi32, #tpu.memory_space<vmem>> -> memref<64xi32, #tpu.memory_space<vmem>>
    %dma_start3A_16 = arith.constant 0 : i32
    %dma_start3A_17 = arith.constant 0 : i32
    %dma_start3A_18 = tpu.memref_slice %arg3[%dma_start3A_16, %dma_start3A_17] : memref<1000000x128xf32, #tpu.memory_space<hbm>> -> memref<1000000x128xf32, #tpu.memory_space<hbm>>
    tpu.enqueue_indirect_dma source(%dma_start3A_18 : memref<1000000x128xf32, #tpu.memory_space<hbm>>) target(%arg11 : memref<64x128xf32, #tpu.memory_space<vmem>>) offsets(%dma_start3A_15 : memref<64xi32, #tpu.memory_space<vmem>>) semaphore(%arg19 : memref<!tpu.dma_semaphore, #tpu.memory_space<semaphore_mem>>)
    %dma_start3A_19 = arith.constant 192 : i32
    %dma_start3A_20 = tpu.memref_slice %arg7[%dma_start3A_19] : memref<512xi32, #tpu.memory_space<vmem>> -> memref<64xi32, #tpu.memory_space<vmem>>
    %dma_start3A_21 = arith.constant 0 : i32
    %dma_start3A_22 = arith.constant 0 : i32
    %dma_start3A_23 = tpu.memref_slice %arg3[%dma_start3A_21, %dma_start3A_22] : memref<1000000x128xf32, #tpu.memory_space<hbm>> -> memref<1000000x128xf32, #tpu.memory_space<hbm>>
    tpu.enqueue_indirect_dma source(%dma_start3A_23 : memref<1000000x128xf32, #tpu.memory_space<hbm>>) target(%arg12 : memref<64x128xf32, #tpu.memory_space<vmem>>) offsets(%dma_start3A_20 : memref<64xi32, #tpu.memory_space<vmem>>) semaphore(%arg20 : memref<!tpu.dma_semaphore, #tpu.memory_space<semaphore_mem>>)
    %dma_start3A_24 = arith.constant 256 : i32
    %dma_start3A_25 = tpu.memref_slice %arg7[%dma_start3A_24] : memref<512xi32, #tpu.memory_space<vmem>> -> memref<64xi32, #tpu.memory_space<vmem>>
    %dma_start3A_26 = arith.constant 0 : i32
    %dma_start3A_27 = arith.constant 0 : i32
    %dma_start3A_28 = tpu.memref_slice %arg3[%dma_start3A_26, %dma_start3A_27] : memref<1000000x128xf32, #tpu.memory_space<hbm>> -> memref<1000000x128xf32, #tpu.memory_space<hbm>>
    tpu.enqueue_indirect_dma source(%dma_start3A_28 : memref<1000000x128xf32, #tpu.memory_space<hbm>>) target(%arg13 : memref<64x128xf32, #tpu.memory_space<vmem>>) offsets(%dma_start3A_25 : memref<64xi32, #tpu.memory_space<vmem>>) semaphore(%arg21 : memref<!tpu.dma_semaphore, #tpu.memory_space<semaphore_mem>>)
    %dma_start3A_29 = arith.constant 320 : i32
    %dma_start3A_30 = tpu.memref_slice %arg7[%dma_start3A_29] : memref<512xi32, #tpu.memory_space<vmem>> -> memref<64xi32, #tpu.memory_space<vmem>>
    %dma_start3A_31 = arith.constant 0 : i32
    %dma_start3A_32 = arith.constant 0 : i32
    %dma_start3A_33 = tpu.memref_slice %arg3[%dma_start3A_31, %dma_start3A_32] : memref<1000000x128xf32, #tpu.memory_space<hbm>> -> memref<1000000x128xf32, #tpu.memory_space<hbm>>
    tpu.enqueue_indirect_dma source(%dma_start3A_33 : memref<1000000x128xf32, #tpu.memory_space<hbm>>) target(%arg14 : memref<64x128xf32, #tpu.memory_space<vmem>>) offsets(%dma_start3A_30 : memref<64xi32, #tpu.memory_space<vmem>>) semaphore(%arg22 : memref<!tpu.dma_semaphore, #tpu.memory_space<semaphore_mem>>)
    %dma_start3A_34 = arith.constant 384 : i32
    %dma_start3A_35 = tpu.memref_slice %arg7[%dma_start3A_34] : memref<512xi32, #tpu.memory_space<vmem>> -> memref<64xi32, #tpu.memory_space<vmem>>
    %dma_start3A_36 = arith.constant 0 : i32
    %dma_start3A_37 = arith.constant 0 : i32
    %dma_start3A_38 = tpu.memref_slice %arg3[%dma_start3A_36, %dma_start3A_37] : memref<1000000x128xf32, #tpu.memory_space<hbm>> -> memref<1000000x128xf32, #tpu.memory_space<hbm>>
    tpu.enqueue_indirect_dma source(%dma_start3A_38 : memref<1000000x128xf32, #tpu.memory_space<hbm>>) target(%arg15 : memref<64x128xf32, #tpu.memory_space<vmem>>) offsets(%dma_start3A_35 : memref<64xi32, #tpu.memory_space<vmem>>) semaphore(%arg23 : memref<!tpu.dma_semaphore, #tpu.memory_space<semaphore_mem>>)
    %dma_start3A_39 = arith.constant 448 : i32
    %dma_start3A_40 = tpu.memref_slice %arg7[%dma_start3A_39] : memref<512xi32, #tpu.memory_space<vmem>> -> memref<64xi32, #tpu.memory_space<vmem>>
    %dma_start3A_41 = arith.constant 0 : i32
    %dma_start3A_42 = arith.constant 0 : i32
    %dma_start3A_43 = tpu.memref_slice %arg3[%dma_start3A_41, %dma_start3A_42] : memref<1000000x128xf32, #tpu.memory_space<hbm>> -> memref<1000000x128xf32, #tpu.memory_space<hbm>>
    tpu.enqueue_indirect_dma source(%dma_start3A_43 : memref<1000000x128xf32, #tpu.memory_space<hbm>>) target(%arg16 : memref<64x128xf32, #tpu.memory_space<vmem>>) offsets(%dma_start3A_40 : memref<64xi32, #tpu.memory_space<vmem>>) semaphore(%arg24 : memref<!tpu.dma_semaphore, #tpu.memory_space<semaphore_mem>>)
    %dma_wait3A = arith.constant 0 : i32
    %dma_wait3A_44 = tpu.memref_slice %arg7[%dma_wait3A] : memref<512xi32, #tpu.memory_space<vmem>> -> memref<64xi32, #tpu.memory_space<vmem>>
    %dma_wait3A_45 = arith.constant 0 : i32
    %dma_wait3A_46 = arith.constant 0 : i32
    %dma_wait3A_47 = tpu.memref_slice %arg3[%dma_wait3A_45, %dma_wait3A_46] : memref<1000000x128xf32, #tpu.memory_space<hbm>> -> memref<1000000x128xf32, #tpu.memory_space<hbm>>
    tpu.wait_indirect_dma semaphore(%arg17 : memref<!tpu.dma_semaphore, #tpu.memory_space<semaphore_mem>>) src(%dma_wait3A_47 : memref<1000000x128xf32, #tpu.memory_space<hbm>>) dst(%arg9 : memref<64x128xf32, #tpu.memory_space<vmem>>)
    %add3A_48 = arith.constant 0 : i32
    %add3A_49 = arith.addi %mul3A_2, %add3A_48 : i32
    %dma_start3A_50 = arith.constant 0 : i32
    %dma_start3A_51 = tpu.memref_slice %arg5[%add3A_49, %dma_start3A_50] : memref<16384x128xf32, #tpu.memory_space<hbm>> -> memref<64x128xf32, #tpu.memory_space<hbm>>
    %dma_start3A_52 = arith.constant 0 : i32
    %dma_start3A_53 = tpu.memref_slice %arg5[%add3A_49, %dma_start3A_52] : memref<16384x128xf32, #tpu.memory_space<hbm>> -> memref<64x128xf32, #tpu.memory_space<hbm>>
    tpu.enqueue_dma source(%arg9 : memref<64x128xf32, #tpu.memory_space<vmem>>) target(%dma_start3A_53 : memref<64x128xf32, #tpu.memory_space<hbm>>) target_semaphore(%arg25 : memref<!tpu.dma_semaphore, #tpu.memory_space<semaphore_mem>>)
    %dma_wait3A_54 = arith.constant 64 : i32
    %dma_wait3A_55 = tpu.memref_slice %arg7[%dma_wait3A_54] : memref<512xi32, #tpu.memory_space<vmem>> -> memref<64xi32, #tpu.memory_space<vmem>>
    %dma_wait3A_56 = arith.constant 0 : i32
    %dma_wait3A_57 = arith.constant 0 : i32
    %dma_wait3A_58 = tpu.memref_slice %arg3[%dma_wait3A_56, %dma_wait3A_57] : memref<1000000x128xf32, #tpu.memory_space<hbm>> -> memref<1000000x128xf32, #tpu.memory_space<hbm>>
    tpu.wait_indirect_dma semaphore(%arg18 : memref<!tpu.dma_semaphore, #tpu.memory_space<semaphore_mem>>) src(%dma_wait3A_58 : memref<1000000x128xf32, #tpu.memory_space<hbm>>) dst(%arg10 : memref<64x128xf32, #tpu.memory_space<vmem>>)
    %add3A_59 = arith.constant 64 : i32
    %add3A_60 = arith.addi %mul3A_2, %add3A_59 : i32
    %dma_start3A_61 = arith.constant 0 : i32
    %dma_start3A_62 = tpu.memref_slice %arg5[%add3A_60, %dma_start3A_61] : memref<16384x128xf32, #tpu.memory_space<hbm>> -> memref<64x128xf32, #tpu.memory_space<hbm>>
    %dma_start3A_63 = arith.constant 0 : i32
    %dma_start3A_64 = tpu.memref_slice %arg5[%add3A_60, %dma_start3A_63] : memref<16384x128xf32, #tpu.memory_space<hbm>> -> memref<64x128xf32, #tpu.memory_space<hbm>>
    tpu.enqueue_dma source(%arg10 : memref<64x128xf32, #tpu.memory_space<vmem>>) target(%dma_start3A_64 : memref<64x128xf32, #tpu.memory_space<hbm>>) target_semaphore(%arg25 : memref<!tpu.dma_semaphore, #tpu.memory_space<semaphore_mem>>)
    %dma_wait3A_65 = arith.constant 128 : i32
    %dma_wait3A_66 = tpu.memref_slice %arg7[%dma_wait3A_65] : memref<512xi32, #tpu.memory_space<vmem>> -> memref<64xi32, #tpu.memory_space<vmem>>
    %dma_wait3A_67 = arith.constant 0 : i32
    %dma_wait3A_68 = arith.constant 0 : i32
    %dma_wait3A_69 = tpu.memref_slice %arg3[%dma_wait3A_67, %dma_wait3A_68] : memref<1000000x128xf32, #tpu.memory_space<hbm>> -> memref<1000000x128xf32, #tpu.memory_space<hbm>>
    tpu.wait_indirect_dma semaphore(%arg19 : memref<!tpu.dma_semaphore, #tpu.memory_space<semaphore_mem>>) src(%dma_wait3A_69 : memref<1000000x128xf32, #tpu.memory_space<hbm>>) dst(%arg11 : memref<64x128xf32, #tpu.memory_space<vmem>>)
    %add3A_70 = arith.constant 128 : i32
    %add3A_71 = arith.addi %mul3A_2, %add3A_70 : i32
    %dma_start3A_72 = arith.constant 0 : i32
    %dma_start3A_73 = tpu.memref_slice %arg5[%add3A_71, %dma_start3A_72] : memref<16384x128xf32, #tpu.memory_space<hbm>> -> memref<64x128xf32, #tpu.memory_space<hbm>>
    %dma_start3A_74 = arith.constant 0 : i32
    %dma_start3A_75 = tpu.memref_slice %arg5[%add3A_71, %dma_start3A_74] : memref<16384x128xf32, #tpu.memory_space<hbm>> -> memref<64x128xf32, #tpu.memory_space<hbm>>
    tpu.enqueue_dma source(%arg11 : memref<64x128xf32, #tpu.memory_space<vmem>>) target(%dma_start3A_75 : memref<64x128xf32, #tpu.memory_space<hbm>>) target_semaphore(%arg25 : memref<!tpu.dma_semaphore, #tpu.memory_space<semaphore_mem>>)
    %dma_wait3A_76 = arith.constant 192 : i32
    %dma_wait3A_77 = tpu.memref_slice %arg7[%dma_wait3A_76] : memref<512xi32, #tpu.memory_space<vmem>> -> memref<64xi32, #tpu.memory_space<vmem>>
    %dma_wait3A_78 = arith.constant 0 : i32
    %dma_wait3A_79 = arith.constant 0 : i32
    %dma_wait3A_80 = tpu.memref_slice %arg3[%dma_wait3A_78, %dma_wait3A_79] : memref<1000000x128xf32, #tpu.memory_space<hbm>> -> memref<1000000x128xf32, #tpu.memory_space<hbm>>
    tpu.wait_indirect_dma semaphore(%arg20 : memref<!tpu.dma_semaphore, #tpu.memory_space<semaphore_mem>>) src(%dma_wait3A_80 : memref<1000000x128xf32, #tpu.memory_space<hbm>>) dst(%arg12 : memref<64x128xf32, #tpu.memory_space<vmem>>)
    %add3A_81 = arith.constant 192 : i32
    %add3A_82 = arith.addi %mul3A_2, %add3A_81 : i32
    %dma_start3A_83 = arith.constant 0 : i32
    %dma_start3A_84 = tpu.memref_slice %arg5[%add3A_82, %dma_start3A_83] : memref<16384x128xf32, #tpu.memory_space<hbm>> -> memref<64x128xf32, #tpu.memory_space<hbm>>
    %dma_start3A_85 = arith.constant 0 : i32
    %dma_start3A_86 = tpu.memref_slice %arg5[%add3A_82, %dma_start3A_85] : memref<16384x128xf32, #tpu.memory_space<hbm>> -> memref<64x128xf32, #tpu.memory_space<hbm>>
    tpu.enqueue_dma source(%arg12 : memref<64x128xf32, #tpu.memory_space<vmem>>) target(%dma_start3A_86 : memref<64x128xf32, #tpu.memory_space<hbm>>) target_semaphore(%arg25 : memref<!tpu.dma_semaphore, #tpu.memory_space<semaphore_mem>>)
    %dma_wait3A_87 = arith.constant 256 : i32
    %dma_wait3A_88 = tpu.memref_slice %arg7[%dma_wait3A_87] : memref<512xi32, #tpu.memory_space<vmem>> -> memref<64xi32, #tpu.memory_space<vmem>>
    %dma_wait3A_89 = arith.constant 0 : i32
    %dma_wait3A_90 = arith.constant 0 : i32
    %dma_wait3A_91 = tpu.memref_slice %arg3[%dma_wait3A_89, %dma_wait3A_90] : memref<1000000x128xf32, #tpu.memory_space<hbm>> -> memref<1000000x128xf32, #tpu.memory_space<hbm>>
    tpu.wait_indirect_dma semaphore(%arg21 : memref<!tpu.dma_semaphore, #tpu.memory_space<semaphore_mem>>) src(%dma_wait3A_91 : memref<1000000x128xf32, #tpu.memory_space<hbm>>) dst(%arg13 : memref<64x128xf32, #tpu.memory_space<vmem>>)
    %add3A_92 = arith.constant 256 : i32
    %add3A_93 = arith.addi %mul3A_2, %add3A_92 : i32
    %dma_start3A_94 = arith.constant 0 : i32
    %dma_start3A_95 = tpu.memref_slice %arg5[%add3A_93, %dma_start3A_94] : memref<16384x128xf32, #tpu.memory_space<hbm>> -> memref<64x128xf32, #tpu.memory_space<hbm>>
    %dma_start3A_96 = arith.constant 0 : i32
    %dma_start3A_97 = tpu.memref_slice %arg5[%add3A_93, %dma_start3A_96] : memref<16384x128xf32, #tpu.memory_space<hbm>> -> memref<64x128xf32, #tpu.memory_space<hbm>>
    tpu.enqueue_dma source(%arg13 : memref<64x128xf32, #tpu.memory_space<vmem>>) target(%dma_start3A_97 : memref<64x128xf32, #tpu.memory_space<hbm>>) target_semaphore(%arg25 : memref<!tpu.dma_semaphore, #tpu.memory_space<semaphore_mem>>)
    %dma_wait3A_98 = arith.constant 320 : i32
    %dma_wait3A_99 = tpu.memref_slice %arg7[%dma_wait3A_98] : memref<512xi32, #tpu.memory_space<vmem>> -> memref<64xi32, #tpu.memory_space<vmem>>
    %dma_wait3A_100 = arith.constant 0 : i32
    %dma_wait3A_101 = arith.constant 0 : i32
    %dma_wait3A_102 = tpu.memref_slice %arg3[%dma_wait3A_100, %dma_wait3A_101] : memref<1000000x128xf32, #tpu.memory_space<hbm>> -> memref<1000000x128xf32, #tpu.memory_space<hbm>>
    tpu.wait_indirect_dma semaphore(%arg22 : memref<!tpu.dma_semaphore, #tpu.memory_space<semaphore_mem>>) src(%dma_wait3A_102 : memref<1000000x128xf32, #tpu.memory_space<hbm>>) dst(%arg14 : memref<64x128xf32, #tpu.memory_space<vmem>>)
    %add3A_103 = arith.constant 320 : i32
    %add3A_104 = arith.addi %mul3A_2, %add3A_103 : i32
    %dma_start3A_105 = arith.constant 0 : i32
    %dma_start3A_106 = tpu.memref_slice %arg5[%add3A_104, %dma_start3A_105] : memref<16384x128xf32, #tpu.memory_space<hbm>> -> memref<64x128xf32, #tpu.memory_space<hbm>>
    %dma_start3A_107 = arith.constant 0 : i32
    %dma_start3A_108 = tpu.memref_slice %arg5[%add3A_104, %dma_start3A_107] : memref<16384x128xf32, #tpu.memory_space<hbm>> -> memref<64x128xf32, #tpu.memory_space<hbm>>
    tpu.enqueue_dma source(%arg14 : memref<64x128xf32, #tpu.memory_space<vmem>>) target(%dma_start3A_108 : memref<64x128xf32, #tpu.memory_space<hbm>>) target_semaphore(%arg25 : memref<!tpu.dma_semaphore, #tpu.memory_space<semaphore_mem>>)
    %dma_wait3A_109 = arith.constant 384 : i32
    %dma_wait3A_110 = tpu.memref_slice %arg7[%dma_wait3A_109] : memref<512xi32, #tpu.memory_space<vmem>> -> memref<64xi32, #tpu.memory_space<vmem>>
    %dma_wait3A_111 = arith.constant 0 : i32
    %dma_wait3A_112 = arith.constant 0 : i32
    %dma_wait3A_113 = tpu.memref_slice %arg3[%dma_wait3A_111, %dma_wait3A_112] : memref<1000000x128xf32, #tpu.memory_space<hbm>> -> memref<1000000x128xf32, #tpu.memory_space<hbm>>
    tpu.wait_indirect_dma semaphore(%arg23 : memref<!tpu.dma_semaphore, #tpu.memory_space<semaphore_mem>>) src(%dma_wait3A_113 : memref<1000000x128xf32, #tpu.memory_space<hbm>>) dst(%arg15 : memref<64x128xf32, #tpu.memory_space<vmem>>)
    %add3A_114 = arith.constant 384 : i32
    %add3A_115 = arith.addi %mul3A_2, %add3A_114 : i32
    %dma_start3A_116 = arith.constant 0 : i32
    %dma_start3A_117 = tpu.memref_slice %arg5[%add3A_115, %dma_start3A_116] : memref<16384x128xf32, #tpu.memory_space<hbm>> -> memref<64x128xf32, #tpu.memory_space<hbm>>
    %dma_start3A_118 = arith.constant 0 : i32
    %dma_start3A_119 = tpu.memref_slice %arg5[%add3A_115, %dma_start3A_118] : memref<16384x128xf32, #tpu.memory_space<hbm>> -> memref<64x128xf32, #tpu.memory_space<hbm>>
    tpu.enqueue_dma source(%arg15 : memref<64x128xf32, #tpu.memory_space<vmem>>) target(%dma_start3A_119 : memref<64x128xf32, #tpu.memory_space<hbm>>) target_semaphore(%arg25 : memref<!tpu.dma_semaphore, #tpu.memory_space<semaphore_mem>>)
    %dma_wait3A_120 = arith.constant 448 : i32
    %dma_wait3A_121 = tpu.memref_slice %arg7[%dma_wait3A_120] : memref<512xi32, #tpu.memory_space<vmem>> -> memref<64xi32, #tpu.memory_space<vmem>>
    %dma_wait3A_122 = arith.constant 0 : i32
    %dma_wait3A_123 = arith.constant 0 : i32
    %dma_wait3A_124 = tpu.memref_slice %arg3[%dma_wait3A_122, %dma_wait3A_123] : memref<1000000x128xf32, #tpu.memory_space<hbm>> -> memref<1000000x128xf32, #tpu.memory_space<hbm>>
    tpu.wait_indirect_dma semaphore(%arg24 : memref<!tpu.dma_semaphore, #tpu.memory_space<semaphore_mem>>) src(%dma_wait3A_124 : memref<1000000x128xf32, #tpu.memory_space<hbm>>) dst(%arg16 : memref<64x128xf32, #tpu.memory_space<vmem>>)
    %add3A_125 = arith.constant 448 : i32
    %add3A_126 = arith.addi %mul3A_2, %add3A_125 : i32
    %dma_start3A_127 = arith.constant 0 : i32
    %dma_start3A_128 = tpu.memref_slice %arg5[%add3A_126, %dma_start3A_127] : memref<16384x128xf32, #tpu.memory_space<hbm>> -> memref<64x128xf32, #tpu.memory_space<hbm>>
    %dma_start3A_129 = arith.constant 0 : i32
    %dma_start3A_130 = tpu.memref_slice %arg5[%add3A_126, %dma_start3A_129] : memref<16384x128xf32, #tpu.memory_space<hbm>> -> memref<64x128xf32, #tpu.memory_space<hbm>>
    tpu.enqueue_dma source(%arg16 : memref<64x128xf32, #tpu.memory_space<vmem>>) target(%dma_start3A_130 : memref<64x128xf32, #tpu.memory_space<hbm>>) target_semaphore(%arg25 : memref<!tpu.dma_semaphore, #tpu.memory_space<semaphore_mem>>)
    %dma_wait3A_131 = arith.constant 0 : i32
    %dma_wait3A_132 = tpu.memref_slice %arg4[%dma_wait3A_131] : memref<1000000xf32, #tpu.memory_space<hbm>> -> memref<1000000xf32, #tpu.memory_space<hbm>>
    tpu.wait_indirect_dma semaphore(%arg26 : memref<!tpu.dma_semaphore, #tpu.memory_space<semaphore_mem>>) src(%dma_wait3A_132 : memref<1000000xf32, #tpu.memory_space<hbm>>) dst(%arg8 : memref<512xf32, #tpu.memory_space<vmem>>)
    %dma_start3A_133 = tpu.memref_slice %arg6[%mul3A_2] : memref<16384xf32, #tpu.memory_space<hbm>> -> memref<512xf32, #tpu.memory_space<hbm>>
    %dma_start3A_134 = tpu.memref_slice %arg6[%mul3A_2] : memref<16384xf32, #tpu.memory_space<hbm>> -> memref<512xf32, #tpu.memory_space<hbm>>
    tpu.enqueue_dma source(%arg8 : memref<512xf32, #tpu.memory_space<vmem>>) target(%dma_start3A_134 : memref<512xf32, #tpu.memory_space<hbm>>) target_semaphore(%arg26 : memref<!tpu.dma_semaphore, #tpu.memory_space<semaphore_mem>>)
    %dma_wait3A_135 = arith.constant 0 : i32
    %dma_wait3A_136 = tpu.memref_slice %arg5[%add3A_49, %dma_wait3A_135] : memref<16384x128xf32, #tpu.memory_space<hbm>> -> memref<64x128xf32, #tpu.memory_space<hbm>>
    %dma_wait3A_137 = arith.constant 0 : i32
    %dma_wait3A_138 = tpu.memref_slice %arg5[%add3A_49, %dma_wait3A_137] : memref<16384x128xf32, #tpu.memory_space<hbm>> -> memref<64x128xf32, #tpu.memory_space<hbm>>
    tpu.wait_dma2 semaphore(%arg25 : memref<!tpu.dma_semaphore, #tpu.memory_space<semaphore_mem>>) src(%arg9 : memref<64x128xf32, #tpu.memory_space<vmem>>) dst(%dma_wait3A_138 : memref<64x128xf32, #tpu.memory_space<hbm>>)
    %dma_wait3A_139 = arith.constant 0 : i32
    %dma_wait3A_140 = tpu.memref_slice %arg5[%add3A_60, %dma_wait3A_139] : memref<16384x128xf32, #tpu.memory_space<hbm>> -> memref<64x128xf32, #tpu.memory_space<hbm>>
    %dma_wait3A_141 = arith.constant 0 : i32
    %dma_wait3A_142 = tpu.memref_slice %arg5[%add3A_60, %dma_wait3A_141] : memref<16384x128xf32, #tpu.memory_space<hbm>> -> memref<64x128xf32, #tpu.memory_space<hbm>>
    tpu.wait_dma2 semaphore(%arg25 : memref<!tpu.dma_semaphore, #tpu.memory_space<semaphore_mem>>) src(%arg10 : memref<64x128xf32, #tpu.memory_space<vmem>>) dst(%dma_wait3A_142 : memref<64x128xf32, #tpu.memory_space<hbm>>)
    %dma_wait3A_143 = arith.constant 0 : i32
    %dma_wait3A_144 = tpu.memref_slice %arg5[%add3A_71, %dma_wait3A_143] : memref<16384x128xf32, #tpu.memory_space<hbm>> -> memref<64x128xf32, #tpu.memory_space<hbm>>
    %dma_wait3A_145 = arith.constant 0 : i32
    %dma_wait3A_146 = tpu.memref_slice %arg5[%add3A_71, %dma_wait3A_145] : memref<16384x128xf32, #tpu.memory_space<hbm>> -> memref<64x128xf32, #tpu.memory_space<hbm>>
    tpu.wait_dma2 semaphore(%arg25 : memref<!tpu.dma_semaphore, #tpu.memory_space<semaphore_mem>>) src(%arg11 : memref<64x128xf32, #tpu.memory_space<vmem>>) dst(%dma_wait3A_146 : memref<64x128xf32, #tpu.memory_space<hbm>>)
    %dma_wait3A_147 = arith.constant 0 : i32
    %dma_wait3A_148 = tpu.memref_slice %arg5[%add3A_82, %dma_wait3A_147] : memref<16384x128xf32, #tpu.memory_space<hbm>> -> memref<64x128xf32, #tpu.memory_space<hbm>>
    %dma_wait3A_149 = arith.constant 0 : i32
    %dma_wait3A_150 = tpu.memref_slice %arg5[%add3A_82, %dma_wait3A_149] : memref<16384x128xf32, #tpu.memory_space<hbm>> -> memref<64x128xf32, #tpu.memory_space<hbm>>
    tpu.wait_dma2 semaphore(%arg25 : memref<!tpu.dma_semaphore, #tpu.memory_space<semaphore_mem>>) src(%arg12 : memref<64x128xf32, #tpu.memory_space<vmem>>) dst(%dma_wait3A_150 : memref<64x128xf32, #tpu.memory_space<hbm>>)
    %dma_wait3A_151 = arith.constant 0 : i32
    %dma_wait3A_152 = tpu.memref_slice %arg5[%add3A_93, %dma_wait3A_151] : memref<16384x128xf32, #tpu.memory_space<hbm>> -> memref<64x128xf32, #tpu.memory_space<hbm>>
    %dma_wait3A_153 = arith.constant 0 : i32
    %dma_wait3A_154 = tpu.memref_slice %arg5[%add3A_93, %dma_wait3A_153] : memref<16384x128xf32, #tpu.memory_space<hbm>> -> memref<64x128xf32, #tpu.memory_space<hbm>>
    tpu.wait_dma2 semaphore(%arg25 : memref<!tpu.dma_semaphore, #tpu.memory_space<semaphore_mem>>) src(%arg13 : memref<64x128xf32, #tpu.memory_space<vmem>>) dst(%dma_wait3A_154 : memref<64x128xf32, #tpu.memory_space<hbm>>)
    %dma_wait3A_155 = arith.constant 0 : i32
    %dma_wait3A_156 = tpu.memref_slice %arg5[%add3A_104, %dma_wait3A_155] : memref<16384x128xf32, #tpu.memory_space<hbm>> -> memref<64x128xf32, #tpu.memory_space<hbm>>
    %dma_wait3A_157 = arith.constant 0 : i32
    %dma_wait3A_158 = tpu.memref_slice %arg5[%add3A_104, %dma_wait3A_157] : memref<16384x128xf32, #tpu.memory_space<hbm>> -> memref<64x128xf32, #tpu.memory_space<hbm>>
    tpu.wait_dma2 semaphore(%arg25 : memref<!tpu.dma_semaphore, #tpu.memory_space<semaphore_mem>>) src(%arg14 : memref<64x128xf32, #tpu.memory_space<vmem>>) dst(%dma_wait3A_158 : memref<64x128xf32, #tpu.memory_space<hbm>>)
    %dma_wait3A_159 = arith.constant 0 : i32
    %dma_wait3A_160 = tpu.memref_slice %arg5[%add3A_115, %dma_wait3A_159] : memref<16384x128xf32, #tpu.memory_space<hbm>> -> memref<64x128xf32, #tpu.memory_space<hbm>>
    %dma_wait3A_161 = arith.constant 0 : i32
    %dma_wait3A_162 = tpu.memref_slice %arg5[%add3A_115, %dma_wait3A_161] : memref<16384x128xf32, #tpu.memory_space<hbm>> -> memref<64x128xf32, #tpu.memory_space<hbm>>
    tpu.wait_dma2 semaphore(%arg25 : memref<!tpu.dma_semaphore, #tpu.memory_space<semaphore_mem>>) src(%arg15 : memref<64x128xf32, #tpu.memory_space<vmem>>) dst(%dma_wait3A_162 : memref<64x128xf32, #tpu.memory_space<hbm>>)
    %dma_wait3A_163 = arith.constant 0 : i32
    %dma_wait3A_164 = tpu.memref_slice %arg5[%add3A_126, %dma_wait3A_163] : memref<16384x128xf32, #tpu.memory_space<hbm>> -> memref<64x128xf32, #tpu.memory_space<hbm>>
    %dma_wait3A_165 = arith.constant 0 : i32
    %dma_wait3A_166 = tpu.memref_slice %arg5[%add3A_126, %dma_wait3A_165] : memref<16384x128xf32, #tpu.memory_space<hbm>> -> memref<64x128xf32, #tpu.memory_space<hbm>>
    tpu.wait_dma2 semaphore(%arg25 : memref<!tpu.dma_semaphore, #tpu.memory_space<semaphore_mem>>) src(%arg16 : memref<64x128xf32, #tpu.memory_space<vmem>>) dst(%dma_wait3A_166 : memref<64x128xf32, #tpu.memory_space<hbm>>)
    %dma_wait3A_167 = tpu.memref_slice %arg6[%mul3A_2] : memref<16384xf32, #tpu.memory_space<hbm>> -> memref<512xf32, #tpu.memory_space<hbm>>
    %dma_wait3A_168 = tpu.memref_slice %arg6[%mul3A_2] : memref<16384xf32, #tpu.memory_space<hbm>> -> memref<512xf32, #tpu.memory_space<hbm>>
    tpu.wait_dma2 semaphore(%arg26 : memref<!tpu.dma_semaphore, #tpu.memory_space<semaphore_mem>>) src(%arg8 : memref<512xf32, #tpu.memory_space<vmem>>) dst(%dma_wait3A_168 : memref<512xf32, #tpu.memory_space<hbm>>)
    return
  }
}

</mosaic_0001>

<sc_bundles>
// kernel: kernel.3.cloned.1.call-start
scs
__scs_entry_jumppad:
0x0: {  	(pc) =	sbr.rel $0x88, $3  }
0x1: {  	(tag) =	ssettag $0x0;
	lr =	simm.s32 $0x1  }
0x2: {  	[smem:$0x3F9E] =	sst lr;
	_ =	strace $0xD0000000  }
0x3: {  	_ = 	snop  }
0x4: {  	_ = 	snop  }
0x5: {  	_ = 	snop  }
0x6: {  	_ = 	snop  }
0x7: {  	_ = 	snop  }
__scs_overlays_trampoline_lowered:
0x8: {  	[smem:$0x3FAD] =	sst s0  }
0x9: {  	[smem:$0x3FAE] =	sst s1  }
0xa: {  	[smem:$0x3FAF] =	sst s2  }
0xb: {  	[smem:$0x3FB0] =	sst s3  }
0xc: {  	[smem:$0x3FB1] =	sst s4  }
0xd: {  	[smem:$0x3FB2] =	sst s5  }
0xe: {  	[smem:$0x3FB3] =	sst s6  }
0xf: {  	[smem:$0x3FB4] =	sst s7  }
0x10: {  	[smem:$0x3FB5] =	sst s8  }
0x11: {  	[smem:$0x3FB6] =	sst s9;
	s0 =	simm.s32 @!p0 $0x0  }
0x12: {  	s1 =	sld [smem:$0x3F9C];
	s0 =	simm.s32 @p0 $0x1  }
0x13: {  	[smem:$0x3FB7] =	sst s0;
	s0 =	simm.s32 @!p1 $0x0  }
0x14: {  	s2 =	sld [smem:$0x3F9B];
	s0 =	simm.s32 @p1 $0x1  }
0x15: {  	[smem:$0x3FB8] =	sst s0;
	s0 =	simm.s32 @!p2 $0x0  }
0x16: {  	s3 =	sld [smem:$0x3FDB];
	s0 =	simm.s32 @p2 $0x1  }
0x17: {  	s4 =	simm.s32 $0x1BF5;
	[smem:$0x3FBA] =	sst s0  }
0x18: {  	s0 =	sld [smem:$0x3F9D];
	_ =	swait.ge [sflag:s4], $0x0  }
0x19: {  	s7 =	sld [smem:$0x3F9E]  }
0x1a: {  	s8 =	sadd.s32 $0xFFFFE003, lr  }
0x1b: {  	s9 =	sadd.s32 $0xFFFFFEF7, lr;
	s5 =	simm.s32 $0xFFFFFFFF;
	p2 =	slt.u32 s8, $0xFFFFF086  }
0x1c: {  	p1 =	slt.u32 s9, $0xF7A;
	s5 =	simm.s32 @!p2 $0x0  }
0x1d: {  	s5 =	simm.s32 @p1 $0x1;
	p0 =	seq.s32 s7, s2  }
0x1e: {  	s7 =	smul.u32 @!p0 $0xF7A, s2;
	p2 =	seq.s32 @!p0 s5, $0x0  }
0x1f: {  	s9 =	smul.u32 $0xF7A, s1;
	s8 =	simm.s32 @!p0 $0x1BF5;
	p2 =	por !p2, p0  }
0x20: {  	[sflag:s8] =	ssyncset.s32 @!p0 $0xFFFFF086;
	s6 =	sadd.s32 @!p0 s3, s7;
	s7 =	simm.s32 @!p0 $0x108  }
0x21: {  	s3 =	sadd.s32 s3, s9;
	s6 =	sadd.s32 @!p0 $0x88, s6;
	s7 =	simm.s32 @p2 $0x1082  }
0x22: {  	[simem:s7], [sflag:s8] =	dma.local @!p0 [hbm:s6], $0xF7A  }
0x23: {  	s9 =	sor.u32 $0xD0000000, s2;
	s6 =	simm.s32 $0x108;
	_ =	swait.ge @!p0 [sflag:s8], $0x0  }
0x24: {  	s3 =	sadd.s32 $0x88, s3;
	s6 =	simm.s32 @!p1 $0x1082;
	[sflag:s4] =	ssyncset.s32 $0xFFFFF086  }
0x25: {  	[simem:s6], [sflag:s4] =	dma.local [hbm:s3], $0xF7A  }
0x26: {  	[smem:$0x3F9E] =	sst s1;
	(tag) =	ssettag s2;
	_ =	strace s9  }
0x27: {  	s1 =	sld [smem:$0x3FAE]  }
0x28: {  	s2 =	sld [smem:$0x3FAF]  }
0x29: {  	s4 =	sld [smem:$0x3FB1]  }
0x2a: {  	p0 =	seq.s32 s5, $0x0;
	s5 =	sld [smem:$0x3FB2]  }
0x2b: {  	s6 =	sld [smem:$0x3FB3]  }
0x2c: {  	s7 =	sld [smem:$0x3FB4]  }
0x2d: {  	s3 =	simm.s32 $0x108;
	s8 =	sld [smem:$0x3FB5]  }
0x2e: {  	s3 =	simm.s32 @!p0 $0x1082;
	s9 =	sld [smem:$0x3FB6]  }
0x2f: {  	lr =	sadd.s32 s0, s3;
	s0 =	sld [smem:$0x3FAD]  }
0x30: {  	s3 =	sld [smem:$0x3FB0]  }
0x31: {  	[smem:$0x3FB9] =	sst s10  }
0x32: {  	s10 =	sld [smem:$0x3FB7];
	_ =	sdelay $0x3  }
0x33: {  	p0 =	seq.s32 s10, $0x1;
	s10 =	sld [smem:$0x3FB9];
	_ =	sdelay $0x3  }
0x34: {  	[smem:$0x3FB9] =	sst s10  }
0x35: {  	s10 =	sld [smem:$0x3FB8];
	_ =	sdelay $0x3  }
0x36: {  	p1 =	seq.s32 s10, $0x1;
	s10 =	sld [smem:$0x3FB9];
	_ =	sdelay $0x3  }
0x37: {  	[smem:$0x3FB9] =	sst s10  }
0x38: {  	s10 =	sld [smem:$0x3FBA]  }
0x39: {  	_ = 	snop;
	(pc) =	sbr.ind lr, $3  }
0x3a: {  	_ = 	snop  }
0x3b: {  	_ = 	snop  }
0x3c: {  	p2 =	seq.s32 s10, $0x1;
	s10 =	sld [smem:$0x3FB9]  }
0x3d: {  	_ =	shalt  }
0x3e: {  	_ =	shalt  }
0x3f: {  	_ =	shalt  }
0x40: {  	_ =	shalt  }
0x41: {  	_ =	shalt  }
0x42: {  	_ =	shalt  }
0x43: {  	_ =	shalt  }
0x44: {  	_ =	shalt  }
0x45: {  	_ =	shalt  }
0x46: {  	_ =	shalt  }
0x47: {  	_ =	shalt  }
0x48: {  	_ =	shalt  }
0x49: {  	_ =	shalt  }
0x4a: {  	_ =	shalt  }
0x4b: {  	_ =	shalt  }
0x4c: {  	_ =	shalt  }
0x4d: {  	_ =	shalt  }
0x4e: {  	_ =	shalt  }
0x4f: {  	_ =	shalt  }
0x50: {  	_ =	shalt  }
0x51: {  	_ =	shalt  }
0x52: {  	_ =	shalt  }
0x53: {  	_ =	shalt  }
0x54: {  	_ =	shalt  }
0x55: {  	_ =	shalt  }
0x56: {  	_ =	shalt  }
0x57: {  	_ =	shalt  }
0x58: {  	_ =	shalt  }
0x59: {  	_ =	shalt  }
0x5a: {  	_ =	shalt  }
0x5b: {  	_ =	shalt  }
0x5c: {  	_ =	shalt  }
0x5d: {  	_ =	shalt  }
0x5e: {  	_ =	shalt  }
0x5f: {  	_ =	shalt  }
0x60: {  	_ =	shalt  }
0x61: {  	_ =	shalt  }
0x62: {  	_ =	shalt  }
0x63: {  	_ =	shalt  }
0x64: {  	_ =	shalt  }
0x65: {  	_ =	shalt  }
0x66: {  	_ =	shalt  }
0x67: {  	_ =	shalt  }
0x68: {  	_ =	shalt  }
0x69: {  	_ =	shalt  }
0x6a: {  	_ =	shalt  }
0x6b: {  	_ =	shalt  }
0x6c: {  	_ =	shalt  }
0x6d: {  	_ =	shalt  }
0x6e: {  	_ =	shalt  }
0x6f: {  	_ =	shalt  }
0x70: {  	_ =	shalt  }
0x71: {  	_ =	shalt  }
0x72: {  	_ =	shalt  }
0x73: {  	_ =	shalt  }
0x74: {  	_ =	shalt  }
0x75: {  	_ =	shalt  }
0x76: {  	_ =	shalt  }
0x77: {  	_ =	shalt  }
0x78: {  	_ =	shalt  }
0x79: {  	_ =	shalt  }
0x7a: {  	_ =	shalt  }
0x7b: {  	_ =	shalt  }
0x7c: {  	_ =	shalt  }
0x7d: {  	_ =	shalt  }
0x7e: {  	_ =	shalt  }
0x7f: {  	_ =	shalt  }
0x80: {  	_ =	shalt  }
0x81: {  	_ =	shalt  }
0x82: {  	_ =	shalt  }
0x83: {  	_ =	shalt  }
0x84: {  	_ =	shalt  }
0x85: {  	_ =	shalt  }
0x86: {  	_ =	shalt  }
0x87: {  	_ =	shalt  }
.Lfunc_end0:
.L_simem_size_0:
called_computation_lowered:
.L_overlay_start_0:
0x88: {  	s2 =	sld [smem:$0x3FD9]  }
0x89: {  	s3 =	sld [smem:$0x3FFE];
	_ =	sdelay $0x1  }
0x8a: {  	s1 =	srdreg.scid  }
0x8b: {  	s0 =	sand.u32 $0x1, s1  }
0x8c: {  	s14 =	sshll.u32 s0, $0xA;
	s2 =	sadd.s32 s3, s2  }
0x8d: {  	s2 =	sadd.s32 s2, s14  }
0x8e: {  	[smem:$0x3FC5] =	sst s2  }
0x8f: {  	_ = 	snop  }
0x90: {  	s2 =	sld [smem:$0x3FD0];
	_ =	sdelay $0x1  }
0x91: {  	s15 =	sld [smem:$0x3FC9]  }
0x92: {  	s5 =	simm.s32 $0xA;
	s6 =	simm.s32 $0x10;
	s4 =	sld [smem:$0x3FC8]  }
0x93: {  	[smem:s6], [sflag:s5] =	dma.local [hbm:s2], $0x1  }
0x94: {  	_ =	swait.eq [sflag:s5], $0x1  }
0x95: {  	[sflag:s5] =	ssyncset.done $0x0  }
0x96: {  	s16 =	sld [smem:$0x10];
	[sflag:s5] =	ssyncadd.s32 $0xFFFFFFFF  }
0x97: {  	s17 =	sld [smem:$0x11];
	(tm) =	ssettm $0x1  }
0x98: {  	s18 =	sld [smem:$0x3FFB];
	_ =	sdelay $0x3  }
0x99: {  	_ =	strace s18  }
0x9a: {  	s6 =	sld [smem:$0x3FFC];
	_ =	sdelay $0x3  }
0x9b: {  	_ =	strace s6  }
0x9c: {  	s6 =	sld [smem:$0x3FFD];
	_ =	sdelay $0x3  }
0x9d: {  	_ =	strace s6  }
0x9e: {  	_ =	strace $0x8FFFFFFF  }
0x9f: {  	s19 =	sld [smem:$0x3FDB];
	_ =	sdelay $0x1  }
0xa0: {  	s7 =	simm.s32 $_scs_section_size  }
0xa1: {  	s8 =	simm.s32 $_size__tile_overlayer_lowered;
	s9 =	simm.s32 $_tile_overlayer_lowered  }
0xa2: {  	s22 =	simm.s32 $0x1BFF;
	s21 =	sshll.u32 s9, $0x1;
	s6 =	sadd.s32 s7, s19  }
0xa3: {  	s10 =	simm.s32 $0x0;
	s20 =	sshll.u32 s8, $0x1;
	s8 =	sadd.s32 s21, s6  }
0xa4: {  	[timem:s10], [sflag:s22] =	dma.local [hbm:s8], s20  }
0xa5: {  	_ =	swait.ge [sflag:s22], s20  }
0xa6: {  	s7 =	ssub.s32 $0x0, s20;
	[sflag:s22] =	ssyncset.done $0x0  }
0xa7: {  	[sflag:s22] =	ssyncadd.s32 s7;
	_ =	sdelay $0x1  }
0xa8: {  	s23 =	simm.s32 $0x1B8B  }
0xa9: {  	_ =	swait.ge [sflag:s23], $0x1  }
0xaa: {  	[sflag:s23] =	ssyncset.done $0x0  }
0xab: {  	s25 =	simm.s32 $0x1B8E;
	s24 =	sld [smem:$0x3FFE];
	[sflag:s23] =	ssyncadd.s32 $0xFFFFFFFF  }
0xac: {  	s26 =	simm.s32 $execute0_lowered;
	[smem:$0x3FD2] =	sst s25  }
0xad: {  	s8 =	sshll.u32 s26, $0x1;
	_ =	strace $0x80000046;
	[dreg:$0x1] =	wrdreg $0xFFFFFFFF  }
0xae: {  	s28 =	simm.s32 $_size_execute0_lowered;
	s6 =	sadd.s32 s6, s8;
	[dreg:$0x0] =	wrdreg $0x0  }
0xaf: {  	s8 =	sshll.u32 s28, $0x1;
	[dreg:$0x2] =	wrdreg s6  }
0xb0: {  	[dreg:$0x3] =	wrdreg s8  }
0xb1: {  	[dreg:$0x4] =	wrdreg $0xC0  }
0xb2: {  	_ =	task [dreg:s10], $0x5FFFF  }
0xb3: {  	[dreg:$0x1] =	wrdreg $0xFFFFFFFF  }
0xb4: {  	[dreg:$0x0] =	wrdreg $0x60  }
0xb5: {  	[dreg:$0x2] =	wrdreg s15  }
0xb6: {  	[dreg:$0x3] =	wrdreg s4  }
0xb7: {  	[dreg:$0x4] =	wrdreg s24  }
0xb8: {  	[dreg:$0x5] =	wrdreg s16  }
0xb9: {  	[dreg:$0x6] =	wrdreg s17  }
0xba: {  	[dreg:$0x7] =	wrdreg $0x9  }
0xbb: {  	_ =	task.clear_ibuf [dreg:s10], $0x8FFFF;
	_ =	strace $0x90000046  }
0xbc: {  	s29 =	simm.s32 $0x9;
	_ =	strace $0x80000048  }
0xbd: {  	_ =	swait.ge [sflag:s29], $0x1  }
0xbe: {  	[sflag:s29] =	ssyncadd.s32 $0xFFFFFFFF  }
0xbf: {  	_ =	strace $0x90000048  }
0xc0: {  	_ =	sfence  }
0xc1: {  	s30 =	sld [smem:$0x0];
	_ =	sdelay $0x2  }
0xc2: {  	s31 =	sshll.u32 s1, $0xD;
	s1 =	sshrl.u32 s1, $0x2  }
0xc3: {  	s3 =	sand.u32 $0x4000, s31;
	s1 =	sadd.s32 s1, s30  }
0xc4: {  	s0 =	sor.u32 s3, s0;
	s1 =	sshll.u32 s1, $0x11  }
0xc5: {  	s0 =	sor.u32 s1, s0  }
0xc6: {  	s0 =	sadd.s32 $0x8F2B, s0  }
0xc7: {  	[sflag:s0] =	ssyncadd.remote.s32 $0x1  }
0xc8: {  	_ =	sfence.sel $0xFFFF  }
0xc9: {  	[dreg:$0x0] =	wrdreg $0xFFFFFFFF;
	(pc) =	sbr.abs _section_cstart, $3  }
0xca: {  	[dreg:$0x1] =	wrdreg $0xFFFFFFFF  }
0xcb: {  	_ =	task.clear_ibuf [dreg:s10], $0x2FFFF;
	_ =	strace $0x9FFFFFFF  }
0xcc: {  	(tm) =	ssettm $0x7FFFFFFF  }
0xcd: {  	_ =	shalt  }
tec
execute0_lowered:
.L_overlay_start_1:
0x0: {  	(tag) =	ssettag $0x1  }
0x1: {  	s0 =	rddreg [dreg:$0x0]  }
0x2: {  	s5 =	rddreg [dreg:$0x1]  }
0x3: {  	s1 =	rddreg [dreg:$0x2]  }
0x4: {  	s3 =	rddreg [dreg:$0x3]  }
0x5: {  	s4 =	rddreg [dreg:$0x4]  }
0x6: {  	s6 =	srdreg.scid;
	s2 =	simm.s32 $0x0;
	s7 =	stileid.u32  }
0x7: {  	s23 =	simm.s32 $0xB;
	s26 =	simm.s32 $0x80;
	s25 =	simm.s32 $0xC0  }
0x8: {  	s28 =	simm.s32 $0x140;
	s29 =	simm.s32 $0x180;
	s9 =	simm.s32 $0xC400  }
0x9: {  	s31 =	simm.s32 $0x1C0;
	s30 =	simm.s32 $0x1;
	s24 =	simm.s32 $0x2  }
0xa: {  	s22 =	simm.s32 $0x3;
	s21 =	simm.s32 $0x4;
	p0 =	por $0x0, $0x0  }
0xb: {  	s6 =	sand.u32 $0x1, s6;
	[smem:$0x7FF] =	sst s2;
	s1 =	sadd.s32 $0x400, s1  }
0xc: {  	s7 =	sshll.u32 s7, $0xA;
	_ =	strace $0x80000047;
	[dreg:$0x6] =	wrdreg s1  }
0xd: {  	s8 =	sshll.u32 s6, $0x9;
	s16 =	ssub.s32 $0x2, s6;
	[dreg:$0x10] =	wrdreg s26  }
0xe: {  	s26 =	simm.s32 $0x100;
	s6 =	simm.s32 $0x9;
	s7 =	sor.u32 s8, s7  }
0xf: {  	s18 =	sshrl.u32 s16, $0x1;
	s8 =	sshrl.u32 s7, $0x3;
	s7 =	sshll.u32 s7, $0x4  }
0x10: {  	s1 =	ssub.s32 s16, s18;
	s18 =	simm.s32 $0x400;
	s16 =	simm.s32 $0x2400  }
0x11: {  	s0 =	sadd.s32 s0, s8;
	s7 =	sadd.s32 s3, s7;
	s19 =	sadd.s32 s4, s8  }
0x12: {  	s20 =	smax.u32 s1, $0x1;
	s3 =	simm.s32 $0x200;
	[dreg:$0x7] =	wrdreg s0  }
0x13: {  	s8 =	simm.s32 $0xE400;
	s10 =	sadd.s32 $0x400, s7;
	[dreg:$0xf] =	wrdreg s19  }
0x14: {  	s4 =	simm.s32 $0xA;
	s11 =	sadd.s32 $0x800, s7;
	[dreg:$0x8] =	wrdreg s10  }
0x15: {  	s12 =	sadd.s32 $0xC00, s7;
	s13 =	sadd.s32 $0x1000, s7;
	[dreg:$0x9] =	wrdreg s11  }
0x16: {  	s14 =	sadd.s32 $0x1400, s7;
	s15 =	sadd.s32 $0x1800, s7;
	[dreg:$0xa] =	wrdreg s12  }
0x17: {  	s17 =	sadd.s32 $0x1C00, s7;
	p1 =	sne.s32 s20, $0x1;
	[dreg:$0xb] =	wrdreg s13  }
.Ltmp0:
0x18: {  	s19 =	simm.s32 $0x40;
	[dreg:$0xc] =	wrdreg s14;
	(pc) =	sbr.rel @!p1 .LBB2_3-.Ltmp0, $4  }
0x19: {  	s0 =	sadd.s32 $0xFFFFFFFF, s20;
	s20 =	simm.s32 $0x5;
	[dreg:$0xd] =	wrdreg s15  }
0x1a: {  	[dreg:$0xe] =	wrdreg s17;
	s14 =	simm.s32 $0x4400;
	s12 =	simm.s32 $0x6400  }
0x1b: {  	s11 =	simm.s32 $0x8400;
	s10 =	simm.s32 $0xA400;
	s17 =	simm.s32 $0x6  }
0x1c: {  	s15 =	simm.s32 $0x7;
	s13 =	simm.s32 $0x8;
	s1 =	rddreg [dreg:$0x7]  }
0x1d: {  	[tilespmem:s2], [sflag:$0xB] =	stream.linear.gather [hbm4b:s1+s2], $0x200, $0x38;
	[tilespmem:$0x10400] =	vst v63  }
0x1e: {  	_ =	swait.ge [sflag:s23], $0x200  }
0x1f: {  	[sflag:s23] =	ssyncset.done $0x0  }
0x20: {  	s1 =	rddreg [dreg:$0x6];
	[sflag:s23] =	ssyncadd.s32 $0xFFFFFE00  }
0x21: {  	[tilespmem:s3], [sflag:$0xA] =	stream.indirect.gather [hbm4b:s1+s3], $0x1, s2, s3, $0xb8;
	[tilespmem:$0x10400] =	vst v63  }
0x22: {  	_ = 	snop  }
0x23: {  	[tilespmem:s18], [sflag:$0x1] =	stream.indirect.gather [hbm4b:s5+s19], $0x80, s2, s19, $0xb8;
	[tilespmem:$0x10400] =	vst v63  }
0x24: {  	_ = 	snop  }
0x25: {  	[tilespmem:s16], [sflag:$0x2] =	stream.indirect.gather [hbm4b:s5+s19], $0x80, s19, s19, $0xb8;
	[tilespmem:$0x10400] =	vst v63  }
0x26: {  	s1 =	rddreg [dreg:$0x10]  }
0x27: {  	[tilespmem:s14], [sflag:$0x3] =	stream.indirect.gather [hbm4b:s5+s19], $0x80, s1, s19, $0xb8;
	[tilespmem:$0x10400] =	vst v63  }
0x28: {  	_ = 	snop  }
0x29: {  	[tilespmem:s12], [sflag:$0x4] =	stream.indirect.gather [hbm4b:s5+s19], $0x80, s25, s19, $0xb8;
	[tilespmem:$0x10400] =	vst v63  }
0x2a: {  	_ = 	snop  }
0x2b: {  	[tilespmem:s11], [sflag:$0x5] =	stream.indirect.gather [hbm4b:s5+s19], $0x80, s26, s19, $0xb8;
	[tilespmem:$0x10400] =	vst v63  }
0x2c: {  	_ = 	snop  }
0x2d: {  	[tilespmem:s10], [sflag:$0x6] =	stream.indirect.gather [hbm4b:s5+s19], $0x80, s28, s19, $0xb8;
	[tilespmem:$0x10400] =	vst v63  }
0x2e: {  	_ = 	snop  }
0x2f: {  	[tilespmem:s9], [sflag:$0x7] =	stream.indirect.gather [hbm4b:s5+s19], $0x80, s29, s19, $0xb8;
	[tilespmem:$0x10400] =	vst v63  }
0x30: {  	_ = 	snop  }
0x31: {  	[tilespmem:s8], [sflag:$0x8] =	stream.indirect.gather [hbm4b:s5+s19], $0x80, s31, s19, $0xb8;
	[tilespmem:$0x10400] =	vst v63  }
0x32: {  	_ =	swait.ge [sflag:s30], $0x2000  }
0x33: {  	[sflag:s30] =	ssyncset.done $0x0  }
0x34: {  	[sflag:s30] =	ssyncadd.s32 $0xFFFFE000  }
0x35: {  	[hbm4b:s7+s2] =	stream.linear.scatter [tilespmem:s18], [sflag:$0x9], $0x2000, $0x38;
	[tilespmem:$0x10400] =	vst v63  }
0x36: {  	_ =	swait.ge [sflag:s24], $0x2000  }
0x37: {  	[sflag:s24] =	ssyncset.done $0x0  }
0x38: {  	s1 =	rddreg [dreg:$0x8];
	[sflag:s24] =	ssyncadd.s32 $0xFFFFE000  }
0x39: {  	[hbm4b:s1+s2] =	stream.linear.scatter [tilespmem:s16], [sflag:$0x9], $0x2000, $0x38;
	[tilespmem:$0x10400] =	vst v63  }
0x3a: {  	_ =	swait.ge [sflag:s22], $0x2000  }
0x3b: {  	[sflag:s22] =	ssyncset.done $0x0  }
0x3c: {  	s1 =	rddreg [dreg:$0x9];
	[sflag:s22] =	ssyncadd.s32 $0xFFFFE000  }
0x3d: {  	[hbm4b:s1+s2] =	stream.linear.scatter [tilespmem:s14], [sflag:$0x9], $0x2000, $0x38;
	[tilespmem:$0x10400] =	vst v63  }
0x3e: {  	_ =	swait.ge [sflag:s21], $0x2000  }
0x3f: {  	[sflag:s21] =	ssyncset.done $0x0  }
0x40: {  	s1 =	rddreg [dreg:$0xa];
	[sflag:s21] =	ssyncadd.s32 $0xFFFFE000  }
0x41: {  	[hbm4b:s1+s2] =	stream.linear.scatter [tilespmem:s12], [sflag:$0x9], $0x2000, $0x38;
	[tilespmem:$0x10400] =	vst v63  }
0x42: {  	_ =	swait.ge [sflag:s20], $0x2000  }
0x43: {  	[sflag:s20] =	ssyncset.done $0x0  }
0x44: {  	s1 =	rddreg [dreg:$0xb];
	[sflag:s20] =	ssyncadd.s32 $0xFFFFE000  }
0x45: {  	[hbm4b:s1+s2] =	stream.linear.scatter [tilespmem:s11], [sflag:$0x9], $0x2000, $0x38;
	[tilespmem:$0x10400] =	vst v63  }
0x46: {  	_ =	swait.ge [sflag:s17], $0x2000  }
0x47: {  	[sflag:s17] =	ssyncset.done $0x0  }
0x48: {  	s1 =	rddreg [dreg:$0xc];
	[sflag:s17] =	ssyncadd.s32 $0xFFFFE000  }
0x49: {  	[hbm4b:s1+s2] =	stream.linear.scatter [tilespmem:s10], [sflag:$0x9], $0x2000, $0x38;
	[tilespmem:$0x10400] =	vst v63  }
0x4a: {  	_ =	swait.ge [sflag:s15], $0x2000  }
0x4b: {  	[sflag:s15] =	ssyncset.done $0x0  }
0x4c: {  	s1 =	rddreg [dreg:$0xd];
	[sflag:s15] =	ssyncadd.s32 $0xFFFFE000  }
0x4d: {  	[hbm4b:s1+s2] =	stream.linear.scatter [tilespmem:s9], [sflag:$0x9], $0x2000, $0x38;
	[tilespmem:$0x10400] =	vst v63  }
0x4e: {  	_ =	swait.ge [sflag:s13], $0x2000  }
0x4f: {  	[sflag:s13] =	ssyncset.done $0x0  }
0x50: {  	s1 =	rddreg [dreg:$0xe];
	[sflag:s13] =	ssyncadd.s32 $0xFFFFE000  }
0x51: {  	[hbm4b:s1+s2] =	stream.linear.scatter [tilespmem:s8], [sflag:$0x9], $0x2000, $0x38;
	[tilespmem:$0x10400] =	vst v63  }
0x52: {  	_ =	swait.ge [sflag:s4], $0x200  }
0x53: {  	[sflag:s4] =	ssyncset.done $0x0  }
0x54: {  	s1 =	rddreg [dreg:$0xf];
	[sflag:s4] =	ssyncadd.s32 $0xFFFFFE00  }
0x55: {  	[hbm4b:s1+s2] =	stream.linear.scatter [tilespmem:s3], [sflag:$0xA], $0x200, $0x38;
	[tilespmem:$0x10400] =	vst v63  }
0x56: {  	_ =	swait.ge [sflag:s6], $0x2000  }
0x57: {  	[sflag:s6] =	ssyncset.done $0x0  }
0x58: {  	[sflag:s6] =	ssyncadd.s32 $0xFFFFE000  }
0x59: {  	_ =	swait.ge [sflag:s6], $0x2000  }
0x5a: {  	[sflag:s6] =	ssyncset.done $0x0  }
0x5b: {  	[sflag:s6] =	ssyncadd.s32 $0xFFFFE000  }
0x5c: {  	_ =	swait.ge [sflag:s6], $0x2000  }
0x5d: {  	[sflag:s6] =	ssyncset.done $0x0  }
0x5e: {  	[sflag:s6] =	ssyncadd.s32 $0xFFFFE000  }
0x5f: {  	_ =	swait.ge [sflag:s6], $0x2000  }
0x60: {  	[sflag:s6] =	ssyncset.done $0x0  }
0x61: {  	[sflag:s6] =	ssyncadd.s32 $0xFFFFE000  }
0x62: {  	_ =	swait.ge [sflag:s6], $0x2000  }
0x63: {  	[sflag:s6] =	ssyncset.done $0x0  }
0x64: {  	[sflag:s6] =	ssyncadd.s32 $0xFFFFE000  }
0x65: {  	_ =	swait.ge [sflag:s6], $0x2000  }
0x66: {  	[sflag:s6] =	ssyncset.done $0x0  }
0x67: {  	[sflag:s6] =	ssyncadd.s32 $0xFFFFE000  }
0x68: {  	_ =	swait.ge [sflag:s6], $0x2000  }
0x69: {  	[sflag:s6] =	ssyncset.done $0x0  }
0x6a: {  	p1 =	sne.s32 s0, $0x1;
	[sflag:s6] =	ssyncadd.s32 $0xFFFFE000  }
.Ltmp1:
0x6b: {  	_ =	swait.ge [sflag:s6], $0x2000;
	(pc) =	sbr.rel @!p1 .LBB2_3-.Ltmp1, $4  }
0x6c: {  	[sflag:s6] =	ssyncset.done $0x0  }
0x6d: {  	[sflag:s6] =	ssyncadd.s32 $0xFFFFE000  }
0x6e: {  	s0 =	sadd.s32 $0xFFFFFFFF, s0;
	_ =	swait.ge [sflag:s4], $0x200  }
0x6f: {  	p0 =	por $0x1, $0x1;
	s1 =	rddreg [dreg:$0x7];
	[sflag:s4] =	ssyncset.done $0x0  }
.LBB2_2:
0x70: {  	[sflag:s4] =	ssyncadd.s32 $0xFFFFFE00  }
0x71: {  	[tilespmem:s2], [sflag:$0xB] =	stream.linear.gather [hbm4b:s1+s2], $0x200, $0x38;
	[tilespmem:$0x10400] =	vst v63  }
0x72: {  	_ =	swait.ge [sflag:s23], $0x200  }
0x73: {  	[sflag:s23] =	ssyncset.done $0x0  }
0x74: {  	s1 =	rddreg [dreg:$0x6];
	[sflag:s23] =	ssyncadd.s32 $0xFFFFFE00  }
0x75: {  	[tilespmem:s3], [sflag:$0xA] =	stream.indirect.gather [hbm4b:s1+s3], $0x1, s2, s3, $0xb8;
	[tilespmem:$0x10400] =	vst v63  }
0x76: {  	_ = 	snop  }
0x77: {  	[tilespmem:s18], [sflag:$0x1] =	stream.indirect.gather [hbm4b:s5+s19], $0x80, s2, s19, $0xb8;
	[tilespmem:$0x10400] =	vst v63  }
0x78: {  	_ = 	snop  }
0x79: {  	[tilespmem:s16], [sflag:$0x2] =	stream.indirect.gather [hbm4b:s5+s19], $0x80, s19, s19, $0xb8;
	[tilespmem:$0x10400] =	vst v63  }
0x7a: {  	s1 =	rddreg [dreg:$0x10]  }
0x7b: {  	[tilespmem:s14], [sflag:$0x3] =	stream.indirect.gather [hbm4b:s5+s19], $0x80, s1, s19, $0xb8;
	[tilespmem:$0x10400] =	vst v63  }
0x7c: {  	_ = 	snop  }
0x7d: {  	[tilespmem:s12], [sflag:$0x4] =	stream.indirect.gather [hbm4b:s5+s19], $0x80, s25, s19, $0xb8;
	[tilespmem:$0x10400] =	vst v63  }
0x7e: {  	_ = 	snop  }
0x7f: {  	[tilespmem:s11], [sflag:$0x5] =	stream.indirect.gather [hbm4b:s5+s19], $0x80, s26, s19, $0xb8;
	[tilespmem:$0x10400] =	vst v63  }
0x80: {  	_ = 	snop  }
0x81: {  	[tilespmem:s10], [sflag:$0x6] =	stream.indirect.gather [hbm4b:s5+s19], $0x80, s28, s19, $0xb8;
	[tilespmem:$0x10400] =	vst v63  }
0x82: {  	_ = 	snop  }
0x83: {  	[tilespmem:s9], [sflag:$0x7] =	stream.indirect.gather [hbm4b:s5+s19], $0x80, s29, s19, $0xb8;
	[tilespmem:$0x10400] =	vst v63  }
0x84: {  	_ = 	snop  }
0x85: {  	[tilespmem:s8], [sflag:$0x8] =	stream.indirect.gather [hbm4b:s5+s19], $0x80, s31, s19, $0xb8;
	[tilespmem:$0x10400] =	vst v63  }
0x86: {  	_ =	swait.ge [sflag:s30], $0x2000  }
0x87: {  	[sflag:s30] =	ssyncset.done $0x0  }
0x88: {  	[sflag:s30] =	ssyncadd.s32 $0xFFFFE000  }
0x89: {  	[hbm4b:s7+s2] =	stream.linear.scatter [tilespmem:s18], [sflag:$0x9], $0x2000, $0x38;
	[tilespmem:$0x10400] =	vst v63  }
0x8a: {  	_ =	swait.ge [sflag:s24], $0x2000  }
0x8b: {  	[sflag:s24] =	ssyncset.done $0x0  }
0x8c: {  	s1 =	rddreg [dreg:$0x8];
	[sflag:s24] =	ssyncadd.s32 $0xFFFFE000  }
0x8d: {  	[hbm4b:s1+s2] =	stream.linear.scatter [tilespmem:s16], [sflag:$0x9], $0x2000, $0x38;
	[tilespmem:$0x10400] =	vst v63  }
0x8e: {  	_ =	swait.ge [sflag:s22], $0x2000  }
0x8f: {  	[sflag:s22] =	ssyncset.done $0x0  }
0x90: {  	s1 =	rddreg [dreg:$0x9];
	[sflag:s22] =	ssyncadd.s32 $0xFFFFE000  }
0x91: {  	[hbm4b:s1+s2] =	stream.linear.scatter [tilespmem:s14], [sflag:$0x9], $0x2000, $0x38;
	[tilespmem:$0x10400] =	vst v63  }
0x92: {  	_ =	swait.ge [sflag:s21], $0x2000  }
0x93: {  	[sflag:s21] =	ssyncset.done $0x0  }
0x94: {  	s1 =	rddreg [dreg:$0xa];
	[sflag:s21] =	ssyncadd.s32 $0xFFFFE000  }
0x95: {  	[hbm4b:s1+s2] =	stream.linear.scatter [tilespmem:s12], [sflag:$0x9], $0x2000, $0x38;
	[tilespmem:$0x10400] =	vst v63  }
0x96: {  	_ =	swait.ge [sflag:s20], $0x2000  }
0x97: {  	[sflag:s20] =	ssyncset.done $0x0  }
0x98: {  	s1 =	rddreg [dreg:$0xb];
	[sflag:s20] =	ssyncadd.s32 $0xFFFFE000  }
0x99: {  	[hbm4b:s1+s2] =	stream.linear.scatter [tilespmem:s11], [sflag:$0x9], $0x2000, $0x38;
	[tilespmem:$0x10400] =	vst v63  }
0x9a: {  	_ =	swait.ge [sflag:s17], $0x2000  }
0x9b: {  	[sflag:s17] =	ssyncset.done $0x0  }
0x9c: {  	s1 =	rddreg [dreg:$0xc];
	[sflag:s17] =	ssyncadd.s32 $0xFFFFE000  }
0x9d: {  	[hbm4b:s1+s2] =	stream.linear.scatter [tilespmem:s10], [sflag:$0x9], $0x2000, $0x38;
	[tilespmem:$0x10400] =	vst v63  }
0x9e: {  	_ =	swait.ge [sflag:s15], $0x2000  }
0x9f: {  	[sflag:s15] =	ssyncset.done $0x0  }
0xa0: {  	s1 =	rddreg [dreg:$0xd];
	[sflag:s15] =	ssyncadd.s32 $0xFFFFE000  }
0xa1: {  	[hbm4b:s1+s2] =	stream.linear.scatter [tilespmem:s9], [sflag:$0x9], $0x2000, $0x38;
	[tilespmem:$0x10400] =	vst v63  }
0xa2: {  	_ =	swait.ge [sflag:s13], $0x2000  }
0xa3: {  	[sflag:s13] =	ssyncset.done $0x0  }
0xa4: {  	s1 =	rddreg [dreg:$0xe];
	[sflag:s13] =	ssyncadd.s32 $0xFFFFE000  }
0xa5: {  	[hbm4b:s1+s2] =	stream.linear.scatter [tilespmem:s8], [sflag:$0x9], $0x2000, $0x38;
	[tilespmem:$0x10400] =	vst v63  }
0xa6: {  	_ =	swait.ge [sflag:s4], $0x200  }
0xa7: {  	[sflag:s4] =	ssyncset.done $0x0  }
0xa8: {  	s1 =	rddreg [dreg:$0xf];
	[sflag:s4] =	ssyncadd.s32 $0xFFFFFE00  }
0xa9: {  	[hbm4b:s1+s2] =	stream.linear.scatter [tilespmem:s3], [sflag:$0xA], $0x200, $0x38;
	[tilespmem:$0x10400] =	vst v63  }
0xaa: {  	_ =	swait.ge [sflag:s6], $0x2000  }
0xab: {  	[sflag:s6] =	ssyncset.done $0x0  }
0xac: {  	[sflag:s6] =	ssyncadd.s32 $0xFFFFE000  }
0xad: {  	_ =	swait.ge [sflag:s6], $0x2000  }
0xae: {  	[sflag:s6] =	ssyncset.done $0x0  }
0xaf: {  	[sflag:s6] =	ssyncadd.s32 $0xFFFFE000  }
0xb0: {  	_ =	swait.ge [sflag:s6], $0x2000  }
0xb1: {  	[sflag:s6] =	ssyncset.done $0x0  }
0xb2: {  	[sflag:s6] =	ssyncadd.s32 $0xFFFFE000  }
0xb3: {  	_ =	swait.ge [sflag:s6], $0x2000  }
0xb4: {  	[sflag:s6] =	ssyncset.done $0x0  }
0xb5: {  	[sflag:s6] =	ssyncadd.s32 $0xFFFFE000  }
0xb6: {  	_ =	swait.ge [sflag:s6], $0x2000  }
0xb7: {  	[sflag:s6] =	ssyncset.done $0x0  }
0xb8: {  	[sflag:s6] =	ssyncadd.s32 $0xFFFFE000  }
0xb9: {  	_ =	swait.ge [sflag:s6], $0x2000  }
0xba: {  	[sflag:s6] =	ssyncset.done $0x0  }
0xbb: {  	[sflag:s6] =	ssyncadd.s32 $0xFFFFE000  }
0xbc: {  	_ =	swait.ge [sflag:s6], $0x2000  }
0xbd: {  	[sflag:s6] =	ssyncset.done $0x0  }
0xbe: {  	p1 =	sne.s32 s0, $0x1;
	[sflag:s6] =	ssyncadd.s32 $0xFFFFE000  }
.Ltmp2:
0xbf: {  	_ =	swait.ge [sflag:s6], $0x2000;
	(pc) =	sbr.rel @p1 .LBB2_2-.Ltmp2, $4  }
0xc0: {  	[sflag:s6] =	ssyncset.done $0x0  }
0xc1: {  	[sflag:s6] =	ssyncadd.s32 $0xFFFFE000  }
0xc2: {  	_ =	swait.ge [sflag:s4], $0x200  }
0xc3: {  	s0 =	sadd.s32 $0xFFFFFFFF, s0;
	s1 =	rddreg [dreg:$0x7];
	[sflag:s4] =	ssyncset.done $0x0  }
.LBB2_3:
0xc4: {  	[sflag:s4] =	ssyncadd.s32 @p0 $0xFFFFFE00  }
0xc5: {  	[tilespmem:s2], [sflag:$0xB] =	stream.linear.gather [hbm4b:s1+s2], $0x200, $0x38;
	[tilespmem:$0x10400] =	vst v63  }
0xc6: {  	_ =	swait.ge [sflag:s23], $0x200  }
0xc7: {  	[sflag:s23] =	ssyncset.done $0x0  }
0xc8: {  	s0 =	rddreg [dreg:$0x6];
	[sflag:s23] =	ssyncadd.s32 $0xFFFFFE00  }
0xc9: {  	[tilespmem:s3], [sflag:$0xA] =	stream.indirect.gather [hbm4b:s0+s3], $0x1, s2, s3, $0xb8;
	[tilespmem:$0x10400] =	vst v63  }
0xca: {  	_ = 	snop  }
0xcb: {  	[tilespmem:s18], [sflag:$0x1] =	stream.indirect.gather [hbm4b:s5+s19], $0x80, s2, s19, $0xb8;
	[tilespmem:$0x10400] =	vst v63  }
0xcc: {  	_ = 	snop  }
0xcd: {  	[tilespmem:s16], [sflag:$0x2] =	stream.indirect.gather [hbm4b:s5+s19], $0x80, s19, s19, $0xb8;
	[tilespmem:$0x10400] =	vst v63  }
0xce: {  	s1 =	rddreg [dreg:$0x10]  }
0xcf: {  	[tilespmem:s14], [sflag:$0x3] =	stream.indirect.gather [hbm4b:s5+s19], $0x80, s1, s19, $0xb8;
	[tilespmem:$0x10400] =	vst v63  }
0xd0: {  	_ = 	snop  }
0xd1: {  	[tilespmem:s12], [sflag:$0x4] =	stream.indirect.gather [hbm4b:s5+s19], $0x80, s25, s19, $0xb8;
	[tilespmem:$0x10400] =	vst v63  }
0xd2: {  	_ = 	snop  }
0xd3: {  	[tilespmem:s11], [sflag:$0x5] =	stream.indirect.gather [hbm4b:s5+s19], $0x80, s26, s19, $0xb8;
	[tilespmem:$0x10400] =	vst v63  }
0xd4: {  	_ = 	snop  }
0xd5: {  	[tilespmem:s10], [sflag:$0x6] =	stream.indirect.gather [hbm4b:s5+s19], $0x80, s28, s19, $0xb8;
	[tilespmem:$0x10400] =	vst v63  }
0xd6: {  	_ = 	snop  }
0xd7: {  	[tilespmem:s9], [sflag:$0x7] =	stream.indirect.gather [hbm4b:s5+s19], $0x80, s29, s19, $0xb8;
	[tilespmem:$0x10400] =	vst v63  }
0xd8: {  	_ = 	snop  }
0xd9: {  	[tilespmem:s8], [sflag:$0x8] =	stream.indirect.gather [hbm4b:s5+s19], $0x80, s31, s19, $0xb8;
	[tilespmem:$0x10400] =	vst v63  }
0xda: {  	_ =	swait.ge [sflag:s30], $0x2000  }
0xdb: {  	[sflag:s30] =	ssyncset.done $0x0  }
0xdc: {  	[sflag:s30] =	ssyncadd.s32 $0xFFFFE000  }
0xdd: {  	[hbm4b:s7+s2] =	stream.linear.scatter [tilespmem:s18], [sflag:$0x9], $0x2000, $0x38;
	[tilespmem:$0x10400] =	vst v63  }
0xde: {  	_ =	swait.ge [sflag:s24], $0x2000  }
0xdf: {  	[sflag:s24] =	ssyncset.done $0x0  }
0xe0: {  	s19 =	rddreg [dreg:$0x8];
	[sflag:s24] =	ssyncadd.s32 $0xFFFFE000  }
0xe1: {  	[hbm4b:s19+s2] =	stream.linear.scatter [tilespmem:s16], [sflag:$0x9], $0x2000, $0x38;
	[tilespmem:$0x10400] =	vst v63  }
0xe2: {  	_ =	swait.ge [sflag:s22], $0x2000  }
0xe3: {  	[sflag:s22] =	ssyncset.done $0x0  }
0xe4: {  	s23 =	rddreg [dreg:$0x9];
	[sflag:s22] =	ssyncadd.s32 $0xFFFFE000  }
0xe5: {  	[hbm4b:s23+s2] =	stream.linear.scatter [tilespmem:s14], [sflag:$0x9], $0x2000, $0x38;
	[tilespmem:$0x10400] =	vst v63  }
0xe6: {  	_ =	swait.ge [sflag:s21], $0x2000  }
0xe7: {  	[sflag:s21] =	ssyncset.done $0x0  }
0xe8: {  	s24 =	rddreg [dreg:$0xa];
	[sflag:s21] =	ssyncadd.s32 $0xFFFFE000  }
0xe9: {  	[hbm4b:s24+s2] =	stream.linear.scatter [tilespmem:s12], [sflag:$0x9], $0x2000, $0x38;
	[tilespmem:$0x10400] =	vst v63  }
0xea: {  	_ =	swait.ge [sflag:s20], $0x2000  }
0xeb: {  	[sflag:s20] =	ssyncset.done $0x0  }
0xec: {  	s25 =	rddreg [dreg:$0xb];
	[sflag:s20] =	ssyncadd.s32 $0xFFFFE000  }
0xed: {  	[hbm4b:s25+s2] =	stream.linear.scatter [tilespmem:s11], [sflag:$0x9], $0x2000, $0x38;
	[tilespmem:$0x10400] =	vst v63  }
0xee: {  	_ =	swait.ge [sflag:s17], $0x2000  }
0xef: {  	[sflag:s17] =	ssyncset.done $0x0  }
0xf0: {  	s26 =	rddreg [dreg:$0xc];
	[sflag:s17] =	ssyncadd.s32 $0xFFFFE000  }
0xf1: {  	[hbm4b:s26+s2] =	stream.linear.scatter [tilespmem:s10], [sflag:$0x9], $0x2000, $0x38;
	[tilespmem:$0x10400] =	vst v63  }
0xf2: {  	_ =	swait.ge [sflag:s15], $0x2000  }
0xf3: {  	[sflag:s15] =	ssyncset.done $0x0  }
0xf4: {  	s28 =	rddreg [dreg:$0xd];
	[sflag:s15] =	ssyncadd.s32 $0xFFFFE000  }
0xf5: {  	[hbm4b:s28+s2] =	stream.linear.scatter [tilespmem:s9], [sflag:$0x9], $0x2000, $0x38;
	[tilespmem:$0x10400] =	vst v63  }
0xf6: {  	_ =	swait.ge [sflag:s13], $0x2000  }
0xf7: {  	[sflag:s13] =	ssyncset.done $0x0  }
0xf8: {  	s29 =	rddreg [dreg:$0xe];
	[sflag:s13] =	ssyncadd.s32 $0xFFFFE000  }
0xf9: {  	[hbm4b:s29+s2] =	stream.linear.scatter [tilespmem:s8], [sflag:$0x9], $0x2000, $0x38;
	[tilespmem:$0x10400] =	vst v63  }
0xfa: {  	_ =	swait.ge [sflag:s4], $0x200  }
0xfb: {  	[sflag:s4] =	ssyncset.done $0x0  }
0xfc: {  	s30 =	rddreg [dreg:$0xf];
	[sflag:s4] =	ssyncadd.s32 $0xFFFFFE00  }
0xfd: {  	[hbm4b:s30+s2] =	stream.linear.scatter [tilespmem:s3], [sflag:$0xA], $0x200, $0x38;
	[tilespmem:$0x10400] =	vst v63  }
0xfe: {  	_ =	swait.ge [sflag:s6], $0x2000  }
0xff: {  	[sflag:s6] =	ssyncset.done $0x0  }
0x100: {  	[sflag:s6] =	ssyncadd.s32 $0xFFFFE000  }
0x101: {  	_ =	swait.ge [sflag:s6], $0x2000  }
0x102: {  	[sflag:s6] =	ssyncset.done $0x0  }
0x103: {  	[sflag:s6] =	ssyncadd.s32 $0xFFFFE000  }
0x104: {  	_ =	swait.ge [sflag:s6], $0x2000  }
0x105: {  	[sflag:s6] =	ssyncset.done $0x0  }
0x106: {  	[sflag:s6] =	ssyncadd.s32 $0xFFFFE000  }
0x107: {  	_ =	swait.ge [sflag:s6], $0x2000  }
0x108: {  	[sflag:s6] =	ssyncset.done $0x0  }
0x109: {  	[sflag:s6] =	ssyncadd.s32 $0xFFFFE000  }
0x10a: {  	_ =	swait.ge [sflag:s6], $0x2000  }
0x10b: {  	[sflag:s6] =	ssyncset.done $0x0  }
0x10c: {  	[sflag:s6] =	ssyncadd.s32 $0xFFFFE000  }
0x10d: {  	_ =	swait.ge [sflag:s6], $0x2000  }
0x10e: {  	[sflag:s6] =	ssyncset.done $0x0  }
0x10f: {  	[sflag:s6] =	ssyncadd.s32 $0xFFFFE000  }
0x110: {  	_ =	swait.ge [sflag:s6], $0x2000  }
0x111: {  	[sflag:s6] =	ssyncset.done $0x0  }
0x112: {  	[sflag:s6] =	ssyncadd.s32 $0xFFFFE000  }
0x113: {  	_ =	swait.ge [sflag:s6], $0x2000  }
0x114: {  	[sflag:s6] =	ssyncset.done $0x0  }
0x115: {  	[sflag:s6] =	ssyncadd.s32 $0xFFFFE000  }
0x116: {  	_ =	swait.ge [sflag:s4], $0x200  }
0x117: {  	[sflag:s4] =	ssyncset.done $0x0  }
0x118: {  	[sflag:s4] =	ssyncadd.s32 $0xFFFFFE00  }
0x119: {  	_ =	sfence.sel $0x180000  }
0x11a: {  	[bflag:$0x0] =	sbarrier.arrive $0xFFFF  }
0x11b: {  	_ =	strace $0x90000047  }
0x11c: {  	s31 =	stileid.u32;
	[bflag:$0x2] =	sbarrier.arrive $0xFFFF  }
0x11d: {  	p0 =	sne.s32 s31, $0x0;
	s0 =	rddreg [dreg:$0x5]  }
0x11e: {  	s0 =	sadd.s32 @!p0 $0x100000, s0  }
0x11f: {  	[sflag:s0] =	ssyncadd.tile.s32 @!p0 $0x1;
	_ =	shalt  }
.Lfunc_end2:
_tile_overlayer_lowered:
.L_overlay_start_2:
0x120: {  	(tag) =	ssettag $0x2  }
0x121: {  	s0 =	rddreg [dreg:$0x0];
	s2 =	stileid.u32  }
0x122: {  	s1 =	rddreg [dreg:$0x1];
	p0 =	sne.s32 s2, $0x0  }
0x123: {  	s3 =	rddreg [dreg:$0x2];
	[bflag:$0x3] =	sbarrier.arrive $0xFFFF;
	s2 =	simm.s32 @!p0 $0x1C0B  }
0x124: {  	[timem:s3], [sflag:s2] =	dma.local @!p0 [hbm:s0], s1  }
0x125: {  	s0 =	simm.s32 @!p0 $0xB  }
0x126: {  	_ =	swait.ge @!p0 [sflag:s0], s1  }
0x127: {  	s1 =	ssub.s32 @!p0 $0x0, s1;
	[sflag:s0] =	ssyncset.done @!p0 $0x0  }
0x128: {  	[sflag:s0] =	ssyncadd.s32 @!p0 s1  }
0x129: {  	[bflag:$0x3] =	sbarrier.arrive $0xFFFF  }
0x12a: {  	_ =	shalt  }

</sc_bundles>
